<compile_context>
chip_gen: v7x
topology: tpu7x:2x2x1
jax: 0.10.2.dev20260603
libtpu: 0.0.44.dev20260713+nightly
codegen_flags: <defaults>
</compile_context>

<pallas_src>
import jax
import jax.numpy as jnp
from jax import lax
from jax.experimental import pallas as pl
from jax.experimental.pallas import tpu as pltpu
from jax.experimental.pallas import tpu_sc as plsc

TOP_K = 2
N_EXPERTS = 8
D_MODEL = 1024
NSTREAMS = 2
SUB_BLOCK = 1024
TOKENS_PER_BLOCK = NSTREAMS * SUB_BLOCK

_SC_INFO = plsc.get_sparse_core_info()
_NC = _SC_INFO.num_cores
_NS = _SC_INFO.num_subcores
_NW = _NC * _NS
_LANES = _SC_INFO.num_lanes


def _logits_kernel(*refs):
    x_refs = refs[:NSTREAMS]
    w_ref, logits_ref = refs[NSTREAMS:]
    w = w_ref[...]
    dn = (((1,), (1,)), ((), ()))
    logits_ref[...] = jnp.concatenate(
        [jax.lax.dot_general(w, x_ref[...], dn,
                             preferred_element_type=jnp.float32)
         for x_ref in x_refs], axis=1)


def _sc_router(logits_hbm, idx_hbm, wgt_hbm, l_vmem, idx_vmem, wgt_vmem):
    wid = lax.axis_index("s") * _NC + lax.axis_index("c")
    n = l_vmem.shape[1]
    base = wid * n
    pltpu.sync_copy(logits_hbm.at[:, pl.ds(base, n)], l_vmem)

    def body(c, carry):
        off = c * _LANES
        v1 = l_vmem[0, pl.ds(off, _LANES)]
        i1 = jnp.zeros((_LANES,), jnp.int32)
        v2 = jnp.full((_LANES,), -jnp.inf, jnp.float32)
        i2 = jnp.zeros((_LANES,), jnp.int32)
        for e in range(1, N_EXPERTS):
            v = l_vmem[e, pl.ds(off, _LANES)]
            ev = jnp.full((_LANES,), e, jnp.int32)
            new_top = v > v1
            beats_2nd = v > v2
            v2 = jnp.where(new_top, v1, jnp.where(beats_2nd, v, v2))
            i2 = jnp.where(new_top, i1, jnp.where(beats_2nd, ev, i2))
            v1 = jnp.where(new_top, v, v1)
            i1 = jnp.where(new_top, ev, i1)
        d = jnp.exp(v2 - v1)
        w1 = 1.0 / (1.0 + d)
        idx_vmem[0, pl.ds(off, _LANES)] = i1
        idx_vmem[1, pl.ds(off, _LANES)] = i2
        wgt_vmem[0, pl.ds(off, _LANES)] = w1
        wgt_vmem[1, pl.ds(off, _LANES)] = d * w1
        return carry

    lax.fori_loop(0, n // _LANES, body, 0)
    pltpu.sync_copy(idx_vmem, idx_hbm.at[:, pl.ds(base, n)])
    pltpu.sync_copy(wgt_vmem, wgt_hbm.at[:, pl.ds(base, n)])


@jax.jit
def kernel(hidden_states, weight):
    h = hidden_states.shape[-1]
    x = hidden_states.reshape(-1, h).astype(jnp.float32)
    t = x.shape[0]
    w = weight.astype(jnp.float32)
    b = TOKENS_PER_BLOCK
    grid = (t // b,)

    def make_spec(j):
        return pl.BlockSpec((SUB_BLOCK, h), lambda i, j=j: (i * NSTREAMS + j, 0))

    logits_t = pl.pallas_call(
        _logits_kernel,
        grid=grid,
        in_specs=[make_spec(j) for j in range(NSTREAMS)] + [
            pl.BlockSpec((N_EXPERTS, h), lambda i: (0, 0)),
        ],
        out_specs=pl.BlockSpec((N_EXPERTS, b), lambda i: (0, i)),
        out_shape=jax.ShapeDtypeStruct((N_EXPERTS, t), jnp.float32),
    )(*([x] * NSTREAMS), w)

    n_per_tec = t // _NW
    mesh = plsc.VectorSubcoreMesh(core_axis_name="c", subcore_axis_name="s")
    idx_t, wgt_t = pl.kernel(
        _sc_router,
        out_type=[
            jax.ShapeDtypeStruct((TOP_K, t), jnp.int32),
            jax.ShapeDtypeStruct((TOP_K, t), jnp.float32),
        ],
        mesh=mesh,
        scratch_types=[
            pltpu.VMEM((N_EXPERTS, n_per_tec), jnp.float32),
            pltpu.VMEM((TOP_K, n_per_tec), jnp.int32),
            pltpu.VMEM((TOP_K, n_per_tec), jnp.float32),
        ],
    )(logits_t)
    return (idx_t.T, wgt_t.T)

# --- scband reference (transcript-rebuilt; emitter-appended) ---
"""Pipeline reference for scband-mo-egate-73753178407159 (READ-ONLY COPY).

The authoritative reference and input builder live on the scoring server;
editing this copy changes nothing except your own understanding.
"""

import jax, jax.numpy as jnp
import numpy as np

TOP_K = 2
N_EXPERTS = 8
D_MODEL = 1024
ROUTED_SCALING_FACTOR = 1.0


def setup_inputs(seed: int = 0) -> dict:
    key = jax.random.key(seed)
    k1, k2 = jax.random.split(key)
    hidden_states = jax.random.normal(k1, (4, 8192, D_MODEL), dtype=jnp.float32)
    # kaiming_uniform_(a=sqrt(5)) on [E, d]: bound = sqrt(6 / ((1 + a^2) * fan_in)) = 1/sqrt(fan_in)
    bound = 1.0 / np.sqrt(D_MODEL)
    weight = jax.random.uniform(k2, (N_EXPERTS, D_MODEL), dtype=jnp.float32, minval=-bound, maxval=bound)
    return {"hidden_states": hidden_states, "weight": weight}


def reference(hidden_states, weight):
    # eval-mode forward (no jitter noise, no aux loss)
    h = hidden_states.shape[-1]
    x = hidden_states.reshape(-1, h).astype(jnp.float32)
    logits = x @ weight.astype(jnp.float32).T  # [T, E]
    scores = jax.nn.softmax(logits, axis=-1)
    topk_weight, topk_idx = jax.lax.top_k(scores, TOP_K)
    # top_k > 1 and norm_topk_prob -> normalize then scale
    denominator = jnp.sum(topk_weight, axis=-1, keepdims=True) + 1e-20
    topk_weight = topk_weight / denominator * ROUTED_SCALING_FACTOR
    return (topk_idx, topk_weight)

if __name__ == "__main__":
    import jax
    _d = setup_inputs()
    print(jax.jit(kernel)(*tuple(_d.values())))

</pallas_src>

<mosaic_0001>
#map = affine_map<(d0, d1) -> (0, 0)>
module attributes {stable_mosaic.version = 14 : i64} {
  func.func @_sc_router(%arg0: i32, %arg1: i32, %arg2: memref<8x32768xf32, #tpu.memory_space<hbm>>, %arg3: memref<2x32768xi32, #tpu.memory_space<hbm>>, %arg4: memref<2x32768xf32, #tpu.memory_space<hbm>>, %arg5: memref<8x1024xf32, #tpu.memory_space<vmem>>, %arg6: memref<2x1024xi32, #tpu.memory_space<vmem>>, %arg7: memref<2x1024xf32, #tpu.memory_space<vmem>>) attributes {dimension_semantics = [#tpu.dimension_semantics<core_parallel>, #tpu.dimension_semantics<subcore_parallel>], iteration_bounds = array<i64: 2, 16>, scalar_prefetch = 0 : i64, scratch_operands = 3 : i64, tpu.core_type = #tpu.core_type<sc_vector_subcore>, window_params = [{transform_indices = #map}, {transform_indices = #map}, {transform_indices = #map}]} {
    %mul3A = arith.constant 2 : i32
    %mul3A_0 = arith.muli %arg1, %mul3A : i32
    %add3A = arith.addi %mul3A_0, %arg0 : i32
    %mul3A_1 = arith.constant 1024 : i32
    %mul3A_2 = arith.muli %add3A, %mul3A_1 : i32
    "tpu.region"() ({
      %run_scoped3A = tpu.sem_alloc : memref<!tpu.dma_semaphore, #tpu.memory_space<semaphore_mem>>
      %dma_start3A = arith.constant 0 : i32
      %dma_start3A_8 = tpu.memref_slice %arg2[%dma_start3A, %mul3A_2] : memref<8x32768xf32, #tpu.memory_space<hbm>> -> memref<8x1024xf32, #tpu.memory_space<hbm>>
      %dma_start3A_9 = arith.constant 0 : i32
      %dma_start3A_10 = tpu.memref_slice %arg2[%dma_start3A_9, %mul3A_2] : memref<8x32768xf32, #tpu.memory_space<hbm>> -> memref<8x1024xf32, #tpu.memory_space<hbm>>
      tpu.enqueue_dma source(%dma_start3A_10 : memref<8x1024xf32, #tpu.memory_space<hbm>>) target(%arg5 : memref<8x1024xf32, #tpu.memory_space<vmem>>) target_semaphore(%run_scoped3A : memref<!tpu.dma_semaphore, #tpu.memory_space<semaphore_mem>>)
      %dma_wait3A = arith.constant 0 : i32
      %dma_wait3A_11 = tpu.memref_slice %arg2[%dma_wait3A, %mul3A_2] : memref<8x32768xf32, #tpu.memory_space<hbm>> -> memref<8x1024xf32, #tpu.memory_space<hbm>>
      %dma_wait3A_12 = arith.constant 0 : i32
      %dma_wait3A_13 = tpu.memref_slice %arg2[%dma_wait3A_12, %mul3A_2] : memref<8x32768xf32, #tpu.memory_space<hbm>> -> memref<8x1024xf32, #tpu.memory_space<hbm>>
      tpu.wait_dma2 semaphore(%run_scoped3A : memref<!tpu.dma_semaphore, #tpu.memory_space<semaphore_mem>>) src(%dma_wait3A_13 : memref<8x1024xf32, #tpu.memory_space<hbm>>) dst(%arg5 : memref<8x1024xf32, #tpu.memory_space<vmem>>)
      tpu.yield
    }) : () -> ()
    %scan3A = arith.constant 0 : i32
    %scan3A_3 = arith.constant 0 : i32
    %scan3A_4 = arith.constant 64 : i32
    %scan3A_5 = arith.addi %scan3A_3, %scan3A_4 : i32
    %scan3A_6 = arith.constant 1 : i32
    scf.for %scan3A_8 = %scan3A_3 to %scan3A_5 step %scan3A_6  : i32 {
      %mul3A_9 = arith.constant 16 : i32
      %mul3A_10 = arith.muli %scan3A_8, %mul3A_9 : i32
      %get3A = arith.constant 0 : i32
      %get3A_11 = arith.index_cast %get3A : i32 to index
      %get3A_12 = arith.index_cast %mul3A_10 : i32 to index
      %get3A_13 = tpu.vector_load %arg5[%get3A_11, %get3A_12] {strides = array<i32>} : memref<8x1024xf32, #tpu.memory_space<vmem>>, vector<1x16xf32>,
      %get3A_14 = vector.shape_cast %get3A_13 : vector<1x16xf32> to vector<16xf32>
      %broadcast_in_dim3A = arith.constant 0 : i32
      %broadcast_in_dim3A_15 = vector.broadcast %broadcast_in_dim3A : i32 to vector<16xi32>
      %broadcast_in_dim3A_16 = arith.constant 0xFF800000 : f32
      %broadcast_in_dim3A_17 = vector.broadcast %broadcast_in_dim3A_16 : f32 to vector<16xf32>
      %broadcast_in_dim3A_18 = arith.constant 0 : i32
      %broadcast_in_dim3A_19 = vector.broadcast %broadcast_in_dim3A_18 : i32 to vector<16xi32>
      %get3A_20 = arith.constant 1 : i32
      %get3A_21 = arith.index_cast %get3A_20 : i32 to index
      %get3A_22 = arith.index_cast %mul3A_10 : i32 to index
      %get3A_23 = tpu.vector_load %arg5[%get3A_21, %get3A_22] {strides = array<i32>} : memref<8x1024xf32, #tpu.memory_space<vmem>>, vector<1x16xf32>,
      %get3A_24 = vector.shape_cast %get3A_23 : vector<1x16xf32> to vector<16xf32>
      %broadcast_in_dim3A_25 = arith.constant 1 : i32
      %broadcast_in_dim3A_26 = vector.broadcast %broadcast_in_dim3A_25 : i32 to vector<16xi32>
      %gt3A = arith.cmpf ogt, %get3A_24, %get3A_14 : vector<16xf32>
      %gt3A_27 = arith.cmpf ogt, %get3A_24, %broadcast_in_dim3A_17 : vector<16xf32>
      %select_n3A = arith.select %gt3A_27, %get3A_24, %broadcast_in_dim3A_17 : vector<16xi1>, vector<16xf32>
      %select_n3A_28 = arith.select %gt3A, %get3A_14, %select_n3A : vector<16xi1>, vector<16xf32>
      %select_n3A_29 = arith.select %gt3A_27, %broadcast_in_dim3A_26, %broadcast_in_dim3A_19 : vector<16xi1>, vector<16xi32>
      %select_n3A_30 = arith.select %gt3A, %broadcast_in_dim3A_15, %select_n3A_29 : vector<16xi1>, vector<16xi32>
      %select_n3A_31 = arith.select %gt3A, %get3A_24, %get3A_14 : vector<16xi1>, vector<16xf32>
      %select_n3A_32 = arith.select %gt3A, %broadcast_in_dim3A_26, %broadcast_in_dim3A_15 : vector<16xi1>, vector<16xi32>
      %get3A_33 = arith.constant 2 : i32
      %get3A_34 = arith.index_cast %get3A_33 : i32 to index
      %get3A_35 = arith.index_cast %mul3A_10 : i32 to index
      %get3A_36 = tpu.vector_load %arg5[%get3A_34, %get3A_35] {strides = array<i32>} : memref<8x1024xf32, #tpu.memory_space<vmem>>, vector<1x16xf32>,
      %get3A_37 = vector.shape_cast %get3A_36 : vector<1x16xf32> to vector<16xf32>
      %broadcast_in_dim3A_38 = arith.constant 2 : i32
      %broadcast_in_dim3A_39 = vector.broadcast %broadcast_in_dim3A_38 : i32 to vector<16xi32>
      %gt3A_40 = arith.cmpf ogt, %get3A_37, %select_n3A_31 : vector<16xf32>
      %gt3A_41 = arith.cmpf ogt, %get3A_37, %select_n3A_28 : vector<16xf32>
      %select_n3A_42 = arith.select %gt3A_41, %get3A_37, %select_n3A_28 : vector<16xi1>, vector<16xf32>
      %select_n3A_43 = arith.select %gt3A_40, %select_n3A_31, %select_n3A_42 : vector<16xi1>, vector<16xf32>
      %select_n3A_44 = arith.select %gt3A_41, %broadcast_in_dim3A_39, %select_n3A_30 : vector<16xi1>, vector<16xi32>
      %select_n3A_45 = arith.select %gt3A_40, %select_n3A_32, %select_n3A_44 : vector<16xi1>, vector<16xi32>
      %select_n3A_46 = arith.select %gt3A_40, %get3A_37, %select_n3A_31 : vector<16xi1>, vector<16xf32>
      %select_n3A_47 = arith.select %gt3A_40, %broadcast_in_dim3A_39, %select_n3A_32 : vector<16xi1>, vector<16xi32>
      %get3A_48 = arith.constant 3 : i32
      %get3A_49 = arith.index_cast %get3A_48 : i32 to index
      %get3A_50 = arith.index_cast %mul3A_10 : i32 to index
      %get3A_51 = tpu.vector_load %arg5[%get3A_49, %get3A_50] {strides = array<i32>} : memref<8x1024xf32, #tpu.memory_space<vmem>>, vector<1x16xf32>,
      %get3A_52 = vector.shape_cast %get3A_51 : vector<1x16xf32> to vector<16xf32>
      %broadcast_in_dim3A_53 = arith.constant 3 : i32
      %broadcast_in_dim3A_54 = vector.broadcast %broadcast_in_dim3A_53 : i32 to vector<16xi32>
      %gt3A_55 = arith.cmpf ogt, %get3A_52, %select_n3A_46 : vector<16xf32>
      %gt3A_56 = arith.cmpf ogt, %get3A_52, %select_n3A_43 : vector<16xf32>
      %select_n3A_57 = arith.select %gt3A_56, %get3A_52, %select_n3A_43 : vector<16xi1>, vector<16xf32>
      %select_n3A_58 = arith.select %gt3A_55, %select_n3A_46, %select_n3A_57 : vector<16xi1>, vector<16xf32>
      %select_n3A_59 = arith.select %gt3A_56, %broadcast_in_dim3A_54, %select_n3A_45 : vector<16xi1>, vector<16xi32>
      %select_n3A_60 = arith.select %gt3A_55, %select_n3A_47, %select_n3A_59 : vector<16xi1>, vector<16xi32>
      %select_n3A_61 = arith.select %gt3A_55, %get3A_52, %select_n3A_46 : vector<16xi1>, vector<16xf32>
      %select_n3A_62 = arith.select %gt3A_55, %broadcast_in_dim3A_54, %select_n3A_47 : vector<16xi1>, vector<16xi32>
      %get3A_63 = arith.constant 4 : i32
      %get3A_64 = arith.index_cast %get3A_63 : i32 to index
      %get3A_65 = arith.index_cast %mul3A_10 : i32 to index
      %get3A_66 = tpu.vector_load %arg5[%get3A_64, %get3A_65] {strides = array<i32>} : memref<8x1024xf32, #tpu.memory_space<vmem>>, vector<1x16xf32>,
      %get3A_67 = vector.shape_cast %get3A_66 : vector<1x16xf32> to vector<16xf32>
      %broadcast_in_dim3A_68 = arith.constant 4 : i32
      %broadcast_in_dim3A_69 = vector.broadcast %broadcast_in_dim3A_68 : i32 to vector<16xi32>
      %gt3A_70 = arith.cmpf ogt, %get3A_67, %select_n3A_61 : vector<16xf32>
      %gt3A_71 = arith.cmpf ogt, %get3A_67, %select_n3A_58 : vector<16xf32>
      %select_n3A_72 = arith.select %gt3A_71, %get3A_67, %select_n3A_58 : vector<16xi1>, vector<16xf32>
      %select_n3A_73 = arith.select %gt3A_70, %select_n3A_61, %select_n3A_72 : vector<16xi1>, vector<16xf32>
      %select_n3A_74 = arith.select %gt3A_71, %broadcast_in_dim3A_69, %select_n3A_60 : vector<16xi1>, vector<16xi32>
      %select_n3A_75 = arith.select %gt3A_70, %select_n3A_62, %select_n3A_74 : vector<16xi1>, vector<16xi32>
      %select_n3A_76 = arith.select %gt3A_70, %get3A_67, %select_n3A_61 : vector<16xi1>, vector<16xf32>
      %select_n3A_77 = arith.select %gt3A_70, %broadcast_in_dim3A_69, %select_n3A_62 : vector<16xi1>, vector<16xi32>
      %get3A_78 = arith.constant 5 : i32
      %get3A_79 = arith.index_cast %get3A_78 : i32 to index
      %get3A_80 = arith.index_cast %mul3A_10 : i32 to index
      %get3A_81 = tpu.vector_load %arg5[%get3A_79, %get3A_80] {strides = array<i32>} : memref<8x1024xf32, #tpu.memory_space<vmem>>, vector<1x16xf32>,
      %get3A_82 = vector.shape_cast %get3A_81 : vector<1x16xf32> to vector<16xf32>
      %broadcast_in_dim3A_83 = arith.constant 5 : i32
      %broadcast_in_dim3A_84 = vector.broadcast %broadcast_in_dim3A_83 : i32 to vector<16xi32>
      %gt3A_85 = arith.cmpf ogt, %get3A_82, %select_n3A_76 : vector<16xf32>
      %gt3A_86 = arith.cmpf ogt, %get3A_82, %select_n3A_73 : vector<16xf32>
      %select_n3A_87 = arith.select %gt3A_86, %get3A_82, %select_n3A_73 : vector<16xi1>, vector<16xf32>
      %select_n3A_88 = arith.select %gt3A_85, %select_n3A_76, %select_n3A_87 : vector<16xi1>, vector<16xf32>
      %select_n3A_89 = arith.select %gt3A_86, %broadcast_in_dim3A_84, %select_n3A_75 : vector<16xi1>, vector<16xi32>
      %select_n3A_90 = arith.select %gt3A_85, %select_n3A_77, %select_n3A_89 : vector<16xi1>, vector<16xi32>
      %select_n3A_91 = arith.select %gt3A_85, %get3A_82, %select_n3A_76 : vector<16xi1>, vector<16xf32>
      %select_n3A_92 = arith.select %gt3A_85, %broadcast_in_dim3A_84, %select_n3A_77 : vector<16xi1>, vector<16xi32>
      %get3A_93 = arith.constant 6 : i32
      %get3A_94 = arith.index_cast %get3A_93 : i32 to index
      %get3A_95 = arith.index_cast %mul3A_10 : i32 to index
      %get3A_96 = tpu.vector_load %arg5[%get3A_94, %get3A_95] {strides = array<i32>} : memref<8x1024xf32, #tpu.memory_space<vmem>>, vector<1x16xf32>,
      %get3A_97 = vector.shape_cast %get3A_96 : vector<1x16xf32> to vector<16xf32>
      %broadcast_in_dim3A_98 = arith.constant 6 : i32
      %broadcast_in_dim3A_99 = vector.broadcast %broadcast_in_dim3A_98 : i32 to vector<16xi32>
      %gt3A_100 = arith.cmpf ogt, %get3A_97, %select_n3A_91 : vector<16xf32>
      %gt3A_101 = arith.cmpf ogt, %get3A_97, %select_n3A_88 : vector<16xf32>
      %select_n3A_102 = arith.select %gt3A_101, %get3A_97, %select_n3A_88 : vector<16xi1>, vector<16xf32>
      %select_n3A_103 = arith.select %gt3A_100, %select_n3A_91, %select_n3A_102 : vector<16xi1>, vector<16xf32>
      %select_n3A_104 = arith.select %gt3A_101, %broadcast_in_dim3A_99, %select_n3A_90 : vector<16xi1>, vector<16xi32>
      %select_n3A_105 = arith.select %gt3A_100, %select_n3A_92, %select_n3A_104 : vector<16xi1>, vector<16xi32>
      %select_n3A_106 = arith.select %gt3A_100, %get3A_97, %select_n3A_91 : vector<16xi1>, vector<16xf32>
      %select_n3A_107 = arith.select %gt3A_100, %broadcast_in_dim3A_99, %select_n3A_92 : vector<16xi1>, vector<16xi32>
      %get3A_108 = arith.constant 7 : i32
      %get3A_109 = arith.index_cast %get3A_108 : i32 to index
      %get3A_110 = arith.index_cast %mul3A_10 : i32 to index
      %get3A_111 = tpu.vector_load %arg5[%get3A_109, %get3A_110] {strides = array<i32>} : memref<8x1024xf32, #tpu.memory_space<vmem>>, vector<1x16xf32>,
      %get3A_112 = vector.shape_cast %get3A_111 : vector<1x16xf32> to vector<16xf32>
      %broadcast_in_dim3A_113 = arith.constant 7 : i32
      %broadcast_in_dim3A_114 = vector.broadcast %broadcast_in_dim3A_113 : i32 to vector<16xi32>
      %gt3A_115 = arith.cmpf ogt, %get3A_112, %select_n3A_106 : vector<16xf32>
      %gt3A_116 = arith.cmpf ogt, %get3A_112, %select_n3A_103 : vector<16xf32>
      %select_n3A_117 = arith.select %gt3A_116, %get3A_112, %select_n3A_103 : vector<16xi1>, vector<16xf32>
      %select_n3A_118 = arith.select %gt3A_115, %select_n3A_106, %select_n3A_117 : vector<16xi1>, vector<16xf32>
      %select_n3A_119 = arith.select %gt3A_116, %broadcast_in_dim3A_114, %select_n3A_105 : vector<16xi1>, vector<16xi32>
      %select_n3A_120 = arith.select %gt3A_115, %select_n3A_107, %select_n3A_119 : vector<16xi1>, vector<16xi32>
      %select_n3A_121 = arith.select %gt3A_115, %get3A_112, %select_n3A_106 : vector<16xi1>, vector<16xf32>
      %select_n3A_122 = arith.select %gt3A_115, %broadcast_in_dim3A_114, %select_n3A_107 : vector<16xi1>, vector<16xi32>
      %sub3A = arith.subf %select_n3A_118, %select_n3A_121 : vector<16xf32>
      %exp3A = math.exp %sub3A : vector<16xf32>
      %add3A_123 = arith.constant 1.000000e+00 : f32
      %add3A_124 = vector.broadcast %add3A_123 : f32 to vector<16xf32>
      %add3A_125 = arith.addf %add3A_124, %exp3A : vector<16xf32>
      %div3A = arith.constant 1.000000e+00 : f32
      %div3A_126 = vector.broadcast %div3A : f32 to vector<16xf32>
      %div3A_127 = arith.divf %div3A_126, %add3A_125 : vector<16xf32>
      %swap3A = arith.constant 0 : i32
      %swap3A_128 = arith.index_cast %swap3A : i32 to index
      %swap3A_129 = arith.index_cast %mul3A_10 : i32 to index
      %swap3A_130 = tpu.vector_load %arg6[%swap3A_128, %swap3A_129] {strides = array<i32>} : memref<2x1024xi32, #tpu.memory_space<vmem>>, vector<1x16xi32>,
      %swap3A_131 = vector.shape_cast %swap3A_130 : vector<1x16xi32> to vector<16xi32>
      %swap3A_132 = vector.shape_cast %select_n3A_122 : vector<16xi32> to vector<1x16xi32>
      tpu.vector_store %arg6[%swap3A_128, %swap3A_129], %swap3A_132 {strides = array<i32>} : memref<2x1024xi32, #tpu.memory_space<vmem>>, vector<1x16xi32>,
      %swap3A_133 = arith.constant 1 : i32
      %swap3A_134 = arith.index_cast %swap3A_133 : i32 to index
      %swap3A_135 = arith.index_cast %mul3A_10 : i32 to index
      %swap3A_136 = tpu.vector_load %arg6[%swap3A_134, %swap3A_135] {strides = array<i32>} : memref<2x1024xi32, #tpu.memory_space<vmem>>, vector<1x16xi32>,
      %swap3A_137 = vector.shape_cast %swap3A_136 : vector<1x16xi32> to vector<16xi32>
      %swap3A_138 = vector.shape_cast %select_n3A_120 : vector<16xi32> to vector<1x16xi32>
      tpu.vector_store %arg6[%swap3A_134, %swap3A_135], %swap3A_138 {strides = array<i32>} : memref<2x1024xi32, #tpu.memory_space<vmem>>, vector<1x16xi32>,
      %swap3A_139 = arith.constant 0 : i32
      %swap3A_140 = arith.index_cast %swap3A_139 : i32 to index
      %swap3A_141 = arith.index_cast %mul3A_10 : i32 to index
      %swap3A_142 = tpu.vector_load %arg7[%swap3A_140, %swap3A_141] {strides = array<i32>} : memref<2x1024xf32, #tpu.memory_space<vmem>>, vector<1x16xf32>,
      %swap3A_143 = vector.shape_cast %swap3A_142 : vector<1x16xf32> to vector<16xf32>
      %swap3A_144 = vector.shape_cast %div3A_127 : vector<16xf32> to vector<1x16xf32>
      tpu.vector_store %arg7[%swap3A_140, %swap3A_141], %swap3A_144 {strides = array<i32>} : memref<2x1024xf32, #tpu.memory_space<vmem>>, vector<1x16xf32>,
      %mul3A_145 = arith.mulf %exp3A, %div3A_127 : vector<16xf32>
      %swap3A_146 = arith.constant 1 : i32
      %swap3A_147 = arith.index_cast %swap3A_146 : i32 to index
      %swap3A_148 = arith.index_cast %mul3A_10 : i32 to index
      %swap3A_149 = tpu.vector_load %arg7[%swap3A_147, %swap3A_148] {strides = array<i32>} : memref<2x1024xf32, #tpu.memory_space<vmem>>, vector<1x16xf32>,
      %swap3A_150 = vector.shape_cast %swap3A_149 : vector<1x16xf32> to vector<16xf32>
      %swap3A_151 = vector.shape_cast %mul3A_145 : vector<16xf32> to vector<1x16xf32>
      tpu.vector_store %arg7[%swap3A_147, %swap3A_148], %swap3A_151 {strides = array<i32>} : memref<2x1024xf32, #tpu.memory_space<vmem>>, vector<1x16xf32>,
    }
    %scan3A_7 = arith.constant 64 : i32
    "tpu.region"() ({
      %run_scoped3A = tpu.sem_alloc : memref<!tpu.dma_semaphore, #tpu.memory_space<semaphore_mem>>
      %dma_start3A = arith.constant 0 : i32
      %dma_start3A_8 = tpu.memref_slice %arg3[%dma_start3A, %mul3A_2] : memref<2x32768xi32, #tpu.memory_space<hbm>> -> memref<2x1024xi32, #tpu.memory_space<hbm>>
      %dma_start3A_9 = arith.constant 0 : i32
      %dma_start3A_10 = tpu.memref_slice %arg3[%dma_start3A_9, %mul3A_2] : memref<2x32768xi32, #tpu.memory_space<hbm>> -> memref<2x1024xi32, #tpu.memory_space<hbm>>
      tpu.enqueue_dma source(%arg6 : memref<2x1024xi32, #tpu.memory_space<vmem>>) target(%dma_start3A_10 : memref<2x1024xi32, #tpu.memory_space<hbm>>) target_semaphore(%run_scoped3A : memref<!tpu.dma_semaphore, #tpu.memory_space<semaphore_mem>>)
      %dma_wait3A = arith.constant 0 : i32
      %dma_wait3A_11 = tpu.memref_slice %arg3[%dma_wait3A, %mul3A_2] : memref<2x32768xi32, #tpu.memory_space<hbm>> -> memref<2x1024xi32, #tpu.memory_space<hbm>>
      %dma_wait3A_12 = arith.constant 0 : i32
      %dma_wait3A_13 = tpu.memref_slice %arg3[%dma_wait3A_12, %mul3A_2] : memref<2x32768xi32, #tpu.memory_space<hbm>> -> memref<2x1024xi32, #tpu.memory_space<hbm>>
      tpu.wait_dma2 semaphore(%run_scoped3A : memref<!tpu.dma_semaphore, #tpu.memory_space<semaphore_mem>>) src(%arg6 : memref<2x1024xi32, #tpu.memory_space<vmem>>) dst(%dma_wait3A_13 : memref<2x1024xi32, #tpu.memory_space<hbm>>)
      tpu.yield
    }) : () -> ()
    "tpu.region"() ({
      %run_scoped3A = tpu.sem_alloc : memref<!tpu.dma_semaphore, #tpu.memory_space<semaphore_mem>>
      %dma_start3A = arith.constant 0 : i32
      %dma_start3A_8 = tpu.memref_slice %arg4[%dma_start3A, %mul3A_2] : memref<2x32768xf32, #tpu.memory_space<hbm>> -> memref<2x1024xf32, #tpu.memory_space<hbm>>
      %dma_start3A_9 = arith.constant 0 : i32
      %dma_start3A_10 = tpu.memref_slice %arg4[%dma_start3A_9, %mul3A_2] : memref<2x32768xf32, #tpu.memory_space<hbm>> -> memref<2x1024xf32, #tpu.memory_space<hbm>>
      tpu.enqueue_dma source(%arg7 : memref<2x1024xf32, #tpu.memory_space<vmem>>) target(%dma_start3A_10 : memref<2x1024xf32, #tpu.memory_space<hbm>>) target_semaphore(%run_scoped3A : memref<!tpu.dma_semaphore, #tpu.memory_space<semaphore_mem>>)
      %dma_wait3A = arith.constant 0 : i32
      %dma_wait3A_11 = tpu.memref_slice %arg4[%dma_wait3A, %mul3A_2] : memref<2x32768xf32, #tpu.memory_space<hbm>> -> memref<2x1024xf32, #tpu.memory_space<hbm>>
      %dma_wait3A_12 = arith.constant 0 : i32
      %dma_wait3A_13 = tpu.memref_slice %arg4[%dma_wait3A_12, %mul3A_2] : memref<2x32768xf32, #tpu.memory_space<hbm>> -> memref<2x1024xf32, #tpu.memory_space<hbm>>
      tpu.wait_dma2 semaphore(%run_scoped3A : memref<!tpu.dma_semaphore, #tpu.memory_space<semaphore_mem>>) src(%arg7 : memref<2x1024xf32, #tpu.memory_space<vmem>>) dst(%dma_wait3A_13 : memref<2x1024xf32, #tpu.memory_space<hbm>>)
      tpu.yield
    }) : () -> ()
    return
  }
}

module attributes {stable_mosaic.version = 14 : i64} {
  func.func @_logits_kernel(%arg0: i32, %arg1: memref<1024x1024xf32, #tpu.memory_space<vmem>>, %arg2: memref<1024x1024xf32, #tpu.memory_space<vmem>>, %arg3: memref<8x1024xf32, #tpu.memory_space<vmem>>, %arg4: memref<8x2048xf32, #tpu.memory_space<vmem>>) attributes {dimension_semantics = [#tpu.dimension_semantics<arbitrary>], iteration_bounds = array<i64: 16>, scalar_prefetch = 0 : i64, scratch_operands = 0 : i64, tpu.core_type = #tpu.core_type<tc>, window_params = [{transform_indices = @transform_0, window_bounds = array<i64: 1024, 1024>}, {transform_indices = @transform_1, window_bounds = array<i64: 1024, 1024>}, {pipeline_mode = #tpu.pipeline_mode<synchronous>, transform_indices = @transform_2, window_bounds = array<i64: 8, 1024>}, {transform_indices = @transform_3, window_bounds = array<i64: 8, 2048>}]} {
    %get3A = arith.constant 0 : index
    %get3A_0 = arith.constant 0 : index
    %get3A_1 = vector.load %arg3[%get3A, %get3A_0] : memref<8x1024xf32, #tpu.memory_space<vmem>>, vector<8x1024xf32>
    %get3A_2 = arith.constant 0 : index
    %get3A_3 = arith.constant 0 : index
    %get3A_4 = vector.load %arg1[%get3A_2, %get3A_3] : memref<1024x1024xf32, #tpu.memory_space<vmem>>, vector<1024x1024xf32>
    %dot_general3A = arith.constant dense<0.000000e+00> : vector<8x1024xf32>
    %dot_general3A_5 = tpu.matmul %get3A_1, %get3A_4, %dot_general3A {dimension_numbers = #tpu.dot_dimension_numbers<[1], [1], [0], [0], [0, 0, 1, 0], [], []>, transpose_lhs_hint = false} : vector<8x1024xf32>, vector<1024x1024xf32>, vector<8x1024xf32> -> vector<8x1024xf32>
    %get3A_6 = arith.constant 0 : index
    %get3A_7 = arith.constant 0 : index
    %get3A_8 = vector.load %arg2[%get3A_6, %get3A_7] : memref<1024x1024xf32, #tpu.memory_space<vmem>>, vector<1024x1024xf32>
    %dot_general3A_9 = arith.constant dense<0.000000e+00> : vector<8x1024xf32>
    %dot_general3A_10 = tpu.matmul %get3A_1, %get3A_8, %dot_general3A_9 {dimension_numbers = #tpu.dot_dimension_numbers<[1], [1], [0], [0], [0, 0, 1, 0], [], []>, transpose_lhs_hint = false} : vector<8x1024xf32>, vector<1024x1024xf32>, vector<8x1024xf32> -> vector<8x1024xf32>
    %concatenate3A = tpu.concatenate %dot_general3A_5, %dot_general3A_10 in 1 : vector<8x1024xf32>, vector<8x1024xf32> -> vector<8x2048xf32>
    %swap3A = arith.constant 0 : index
    %swap3A_11 = arith.constant 0 : index
    %swap3A_12 = vector.load %arg4[%swap3A, %swap3A_11] : memref<8x2048xf32, #tpu.memory_space<vmem>>, vector<8x2048xf32>
    tpu.vector_store %arg4[%swap3A, %swap3A_11], %concatenate3A {strides = array<i32>} : memref<8x2048xf32, #tpu.memory_space<vmem>>, vector<8x2048xf32>,
    return
  }
  func.func @transform_0(%arg0: i32) -> (i32, i32) {
    %mul3A = arith.constant 2 : i32
    %mul3A_0 = arith.muli %arg0, %mul3A : i32
    %add3A = arith.constant 0 : i32
    %add3A_1 = arith.addi %mul3A_0, %add3A : i32
    %c0_i32 = arith.constant 0 : i32
    %c0_i32_2 = arith.constant 0 : i32
    return %add3A_1, %c0_i32 : i32, i32
  }
  func.func @transform_1(%arg0: i32) -> (i32, i32) {
    %mul3A = arith.constant 2 : i32
    %mul3A_0 = arith.muli %arg0, %mul3A : i32
    %add3A = arith.constant 1 : i32
    %add3A_1 = arith.addi %mul3A_0, %add3A : i32
    %c0_i32 = arith.constant 0 : i32
    %c0_i32_2 = arith.constant 0 : i32
    return %add3A_1, %c0_i32 : i32, i32
  }
  func.func @transform_2(%arg0: i32) -> (i32, i32) {
    %c0_i32 = arith.constant 0 : i32
    %c0_i32_0 = arith.constant 0 : i32
    %c0_i32_1 = arith.constant 0 : i32
    return %c0_i32, %c0_i32_0 : i32, i32
  }
  func.func @transform_3(%arg0: i32) -> (i32, i32) {
    %c0_i32 = arith.constant 0 : i32
    %c0_i32_0 = arith.constant 0 : i32
    return %c0_i32, %arg0 : i32, i32
  }
}

</mosaic_0001>

<sc_bundles>
// kernel: kernel.4.cloned.1.call-start
scs
__scs_entry_jumppad:
0x0: {  	(pc) =	sbr.rel $0x88, $3  }
0x1: {  	(tag) =	ssettag $0x0;
	lr =	simm.s32 $0x1  }
0x2: {  	[smem:$0x3F9F] =	sst lr;
	_ =	strace $0xD0000000  }
0x3: {  	_ = 	snop  }
0x4: {  	_ = 	snop  }
0x5: {  	_ = 	snop  }
0x6: {  	_ = 	snop  }
0x7: {  	_ = 	snop  }
__scs_overlays_trampoline_lowered:
0x8: {  	[smem:$0x3FAE] =	sst s0  }
0x9: {  	[smem:$0x3FAF] =	sst s1  }
0xa: {  	[smem:$0x3FB0] =	sst s2  }
0xb: {  	[smem:$0x3FB1] =	sst s3  }
0xc: {  	[smem:$0x3FB2] =	sst s4  }
0xd: {  	[smem:$0x3FB3] =	sst s5  }
0xe: {  	[smem:$0x3FB4] =	sst s6  }
0xf: {  	[smem:$0x3FB5] =	sst s7  }
0x10: {  	[smem:$0x3FB6] =	sst s8  }
0x11: {  	[smem:$0x3FB7] =	sst s9;
	s0 =	simm.s32 @!p0 $0x0  }
0x12: {  	s1 =	sld [smem:$0x3F9D];
	s0 =	simm.s32 @p0 $0x1  }
0x13: {  	[smem:$0x3FB8] =	sst s0;
	s0 =	simm.s32 @!p1 $0x0  }
0x14: {  	s2 =	sld [smem:$0x3F9C];
	s0 =	simm.s32 @p1 $0x1  }
0x15: {  	[smem:$0x3FB9] =	sst s0;
	s0 =	simm.s32 @!p2 $0x0  }
0x16: {  	s3 =	sld [smem:$0x3FDB];
	s0 =	simm.s32 @p2 $0x1  }
0x17: {  	s4 =	simm.s32 $0x1BF5;
	[smem:$0x3FBB] =	sst s0  }
0x18: {  	s0 =	sld [smem:$0x3F9E];
	_ =	swait.ge [sflag:s4], $0x0  }
0x19: {  	s7 =	sld [smem:$0x3F9F]  }
0x1a: {  	s8 =	sadd.s32 $0xFFFFE003, lr  }
0x1b: {  	s9 =	sadd.s32 $0xFFFFFEF7, lr;
	s5 =	simm.s32 $0xFFFFFFFF;
	p2 =	slt.u32 s8, $0xFFFFF086  }
0x1c: {  	p1 =	slt.u32 s9, $0xF7A;
	s5 =	simm.s32 @!p2 $0x0  }
0x1d: {  	s5 =	simm.s32 @p1 $0x1;
	p0 =	seq.s32 s7, s2  }
0x1e: {  	s7 =	smul.u32 @!p0 $0xF7A, s2;
	p2 =	seq.s32 @!p0 s5, $0x0  }
0x1f: {  	s9 =	smul.u32 $0xF7A, s1;
	s8 =	simm.s32 @!p0 $0x1BF5;
	p2 =	por !p2, p0  }
0x20: {  	[sflag:s8] =	ssyncset.s32 @!p0 $0xFFFFF086;
	s6 =	sadd.s32 @!p0 s3, s7;
	s7 =	simm.s32 @!p0 $0x108  }
0x21: {  	s3 =	sadd.s32 s3, s9;
	s6 =	sadd.s32 @!p0 $0x88, s6;
	s7 =	simm.s32 @p2 $0x1082  }
0x22: {  	[simem:s7], [sflag:s8] =	dma.local @!p0 [hbm:s6], $0xF7A  }
0x23: {  	s9 =	sor.u32 $0xD0000000, s2;
	s6 =	simm.s32 $0x108;
	_ =	swait.ge @!p0 [sflag:s8], $0x0  }
0x24: {  	s3 =	sadd.s32 $0x88, s3;
	s6 =	simm.s32 @!p1 $0x1082;
	[sflag:s4] =	ssyncset.s32 $0xFFFFF086  }
0x25: {  	[simem:s6], [sflag:s4] =	dma.local [hbm:s3], $0xF7A  }
0x26: {  	[smem:$0x3F9F] =	sst s1;
	(tag) =	ssettag s2;
	_ =	strace s9  }
0x27: {  	s1 =	sld [smem:$0x3FAF]  }
0x28: {  	s2 =	sld [smem:$0x3FB0]  }
0x29: {  	s4 =	sld [smem:$0x3FB2]  }
0x2a: {  	p0 =	seq.s32 s5, $0x0;
	s5 =	sld [smem:$0x3FB3]  }
0x2b: {  	s6 =	sld [smem:$0x3FB4]  }
0x2c: {  	s7 =	sld [smem:$0x3FB5]  }
0x2d: {  	s3 =	simm.s32 $0x108;
	s8 =	sld [smem:$0x3FB6]  }
0x2e: {  	s3 =	simm.s32 @!p0 $0x1082;
	s9 =	sld [smem:$0x3FB7]  }
0x2f: {  	lr =	sadd.s32 s0, s3;
	s0 =	sld [smem:$0x3FAE]  }
0x30: {  	s3 =	sld [smem:$0x3FB1]  }
0x31: {  	[smem:$0x3FBA] =	sst s10  }
0x32: {  	s10 =	sld [smem:$0x3FB8];
	_ =	sdelay $0x3  }
0x33: {  	p0 =	seq.s32 s10, $0x1;
	s10 =	sld [smem:$0x3FBA];
	_ =	sdelay $0x3  }
0x34: {  	[smem:$0x3FBA] =	sst s10  }
0x35: {  	s10 =	sld [smem:$0x3FB9];
	_ =	sdelay $0x3  }
0x36: {  	p1 =	seq.s32 s10, $0x1;
	s10 =	sld [smem:$0x3FBA];
	_ =	sdelay $0x3  }
0x37: {  	[smem:$0x3FBA] =	sst s10  }
0x38: {  	s10 =	sld [smem:$0x3FBB]  }
0x39: {  	_ = 	snop;
	(pc) =	sbr.ind lr, $3  }
0x3a: {  	_ = 	snop  }
0x3b: {  	_ = 	snop  }
0x3c: {  	p2 =	seq.s32 s10, $0x1;
	s10 =	sld [smem:$0x3FBA]  }
0x3d: {  	_ =	shalt  }
0x3e: {  	_ =	shalt  }
0x3f: {  	_ =	shalt  }
0x40: {  	_ =	shalt  }
0x41: {  	_ =	shalt  }
0x42: {  	_ =	shalt  }
0x43: {  	_ =	shalt  }
0x44: {  	_ =	shalt  }
0x45: {  	_ =	shalt  }
0x46: {  	_ =	shalt  }
0x47: {  	_ =	shalt  }
0x48: {  	_ =	shalt  }
0x49: {  	_ =	shalt  }
0x4a: {  	_ =	shalt  }
0x4b: {  	_ =	shalt  }
0x4c: {  	_ =	shalt  }
0x4d: {  	_ =	shalt  }
0x4e: {  	_ =	shalt  }
0x4f: {  	_ =	shalt  }
0x50: {  	_ =	shalt  }
0x51: {  	_ =	shalt  }
0x52: {  	_ =	shalt  }
0x53: {  	_ =	shalt  }
0x54: {  	_ =	shalt  }
0x55: {  	_ =	shalt  }
0x56: {  	_ =	shalt  }
0x57: {  	_ =	shalt  }
0x58: {  	_ =	shalt  }
0x59: {  	_ =	shalt  }
0x5a: {  	_ =	shalt  }
0x5b: {  	_ =	shalt  }
0x5c: {  	_ =	shalt  }
0x5d: {  	_ =	shalt  }
0x5e: {  	_ =	shalt  }
0x5f: {  	_ =	shalt  }
0x60: {  	_ =	shalt  }
0x61: {  	_ =	shalt  }
0x62: {  	_ =	shalt  }
0x63: {  	_ =	shalt  }
0x64: {  	_ =	shalt  }
0x65: {  	_ =	shalt  }
0x66: {  	_ =	shalt  }
0x67: {  	_ =	shalt  }
0x68: {  	_ =	shalt  }
0x69: {  	_ =	shalt  }
0x6a: {  	_ =	shalt  }
0x6b: {  	_ =	shalt  }
0x6c: {  	_ =	shalt  }
0x6d: {  	_ =	shalt  }
0x6e: {  	_ =	shalt  }
0x6f: {  	_ =	shalt  }
0x70: {  	_ =	shalt  }
0x71: {  	_ =	shalt  }
0x72: {  	_ =	shalt  }
0x73: {  	_ =	shalt  }
0x74: {  	_ =	shalt  }
0x75: {  	_ =	shalt  }
0x76: {  	_ =	shalt  }
0x77: {  	_ =	shalt  }
0x78: {  	_ =	shalt  }
0x79: {  	_ =	shalt  }
0x7a: {  	_ =	shalt  }
0x7b: {  	_ =	shalt  }
0x7c: {  	_ =	shalt  }
0x7d: {  	_ =	shalt  }
0x7e: {  	_ =	shalt  }
0x7f: {  	_ =	shalt  }
0x80: {  	_ =	shalt  }
0x81: {  	_ =	shalt  }
0x82: {  	_ =	shalt  }
0x83: {  	_ =	shalt  }
0x84: {  	_ =	shalt  }
0x85: {  	_ =	shalt  }
0x86: {  	_ =	shalt  }
0x87: {  	_ =	shalt  }
.Lfunc_end0:
.L_simem_size_0:
called_computation_lowered:
.L_overlay_start_0:
0x88: {  	s2 =	sld [smem:$0x3FD9]  }
0x89: {  	s3 =	sld [smem:$0x3FFE];
	_ =	sdelay $0x1  }
0x8a: {  	s1 =	srdreg.scid  }
0x8b: {  	s0 =	sand.u32 $0x1, s1  }
0x8c: {  	s14 =	sshll.u32 s0, $0xA;
	s2 =	sadd.s32 s3, s2  }
0x8d: {  	s2 =	sadd.s32 s2, s14  }
0x8e: {  	[smem:$0x3FC6] =	sst s2  }
0x8f: {  	_ = 	snop  }
0x90: {  	s2 =	sld [smem:$0x3FD0];
	_ =	sdelay $0x2  }
0x91: {  	s15 =	simm.s32 $0xA;
	s4 =	simm.s32 $0x10  }
0x92: {  	[smem:s4], [sflag:s15] =	dma.local [hbm:s2], $0x1  }
0x93: {  	_ =	swait.eq [sflag:s15], $0x1  }
0x94: {  	[sflag:s15] =	ssyncset.done $0x0  }
0x95: {  	s16 =	sld [smem:$0x10];
	[sflag:s15] =	ssyncadd.s32 $0xFFFFFFFF  }
0x96: {  	s17 =	sld [smem:$0x11];
	(tm) =	ssettm $0x1  }
0x97: {  	s18 =	sld [smem:$0x3FFB];
	_ =	sdelay $0x3  }
0x98: {  	_ =	strace s18  }
0x99: {  	s4 =	sld [smem:$0x3FFC];
	_ =	sdelay $0x3  }
0x9a: {  	_ =	strace s4  }
0x9b: {  	s4 =	sld [smem:$0x3FFD];
	_ =	sdelay $0x3  }
0x9c: {  	_ =	strace s4  }
0x9d: {  	_ =	strace $0x8FFFFFFF  }
0x9e: {  	s19 =	sld [smem:$0x3FDB];
	_ =	sdelay $0x1  }
0x9f: {  	s5 =	simm.s32 $_scs_section_size  }
0xa0: {  	s6 =	simm.s32 $_size__tile_overlayer_lowered;
	s7 =	simm.s32 $_tile_overlayer_lowered  }
0xa1: {  	s22 =	simm.s32 $0x1BFF;
	s21 =	sshll.u32 s7, $0x1;
	s4 =	sadd.s32 s5, s19  }
0xa2: {  	s8 =	simm.s32 $0x0;
	s20 =	sshll.u32 s6, $0x1;
	s6 =	sadd.s32 s21, s4  }
0xa3: {  	[timem:s8], [sflag:s22] =	dma.local [hbm:s6], s20  }
0xa4: {  	_ =	swait.ge [sflag:s22], s20  }
0xa5: {  	s5 =	ssub.s32 $0x0, s20;
	[sflag:s22] =	ssyncset.done $0x0  }
0xa6: {  	[sflag:s22] =	ssyncadd.s32 s5;
	_ =	sdelay $0x1  }
0xa7: {  	s23 =	simm.s32 $0x1B8B  }
0xa8: {  	_ =	swait.ge [sflag:s23], $0x1  }
0xa9: {  	[sflag:s23] =	ssyncset.done $0x0  }
0xaa: {  	s25 =	simm.s32 $0x1B8E;
	s24 =	sld [smem:$0x3FFE];
	[sflag:s23] =	ssyncadd.s32 $0xFFFFFFFF  }
0xab: {  	s26 =	simm.s32 $execute0_lowered;
	[smem:$0x3FD2] =	sst s25  }
0xac: {  	s6 =	sshll.u32 s26, $0x1;
	_ =	strace $0x80000046;
	[dreg:$0x1] =	wrdreg $0xFFFFFFFF  }
0xad: {  	s28 =	simm.s32 $_size_execute0_lowered;
	s4 =	sadd.s32 s4, s6;
	[dreg:$0x0] =	wrdreg $0x0  }
0xae: {  	s6 =	sshll.u32 s28, $0x1;
	[dreg:$0x2] =	wrdreg s4  }
0xaf: {  	[dreg:$0x3] =	wrdreg s6  }
0xb0: {  	[dreg:$0x4] =	wrdreg $0xC0  }
0xb1: {  	_ =	task [dreg:s8], $0x5FFFF  }
0xb2: {  	[dreg:$0x1] =	wrdreg $0xFFFFFFFF  }
0xb3: {  	[dreg:$0x0] =	wrdreg $0x60  }
0xb4: {  	[dreg:$0x2] =	wrdreg s24  }
0xb5: {  	[dreg:$0x3] =	wrdreg s16  }
0xb6: {  	[dreg:$0x4] =	wrdreg s17  }
0xb7: {  	[dreg:$0x5] =	wrdreg $0x9  }
0xb8: {  	_ =	task.clear_ibuf [dreg:s8], $0x6FFFF;
	_ =	strace $0x90000046  }
0xb9: {  	s29 =	simm.s32 $0x9;
	_ =	strace $0x80000048  }
0xba: {  	_ =	swait.ge [sflag:s29], $0x1  }
0xbb: {  	[sflag:s29] =	ssyncadd.s32 $0xFFFFFFFF  }
0xbc: {  	_ =	strace $0x90000048  }
0xbd: {  	_ =	sfence  }
0xbe: {  	s30 =	sld [smem:$0x0];
	_ =	sdelay $0x2  }
0xbf: {  	s31 =	sshll.u32 s1, $0xD;
	s1 =	sshrl.u32 s1, $0x2  }
0xc0: {  	s3 =	sand.u32 $0x4000, s31;
	s1 =	sadd.s32 s1, s30  }
0xc1: {  	s0 =	sor.u32 s3, s0;
	s1 =	sshll.u32 s1, $0x11  }
0xc2: {  	s0 =	sor.u32 s1, s0  }
0xc3: {  	s0 =	sadd.s32 $0x8F2B, s0  }
0xc4: {  	[sflag:s0] =	ssyncadd.remote.s32 $0x1  }
0xc5: {  	_ =	sfence.sel $0xFFFF  }
0xc6: {  	[dreg:$0x0] =	wrdreg $0xFFFFFFFF;
	(pc) =	sbr.abs _section_cstart, $3  }
0xc7: {  	[dreg:$0x1] =	wrdreg $0xFFFFFFFF  }
0xc8: {  	_ =	task.clear_ibuf [dreg:s8], $0x2FFFF;
	_ =	strace $0x9FFFFFFF  }
0xc9: {  	(tm) =	ssettm $0x7FFFFFFF  }
tec
execute0_lowered:
.L_overlay_start_1:
0x0: {  	(tag) =	ssettag $0x1  }
0x1: {  	s3 =	rddreg [dreg:$0x0]  }
0x2: {  	s4 =	rddreg [dreg:$0x1]  }
0x3: {  	s5 =	rddreg [dreg:$0x2]  }
0x4: {  	s0 =	rddreg [dreg:$0x3];
	s6 =	srdreg.scid  }
0x5: {  	s2 =	simm.s32 $0x0;
	s1 =	stileid.u32;
	s9 =	simm.s32 $0x2800  }
0x6: {  	s10 =	simm.s32 $0x0;
	s6 =	sand.u32 $0x1, s6;
	[smem:$0x7FF] =	sst s2  }
0x7: {  	s7 =	sshll.u32 s1, $0xB;
	s8 =	sshll.u32 s6, $0xA;
	s6 =	ssub.s32 $0x2, s6  }
0x8: {  	_ =	strace $0x80000047;
	s7 =	sor.u32 s8, s7;
	s31 =	sshrl.u32 s6, $0x1  }
0x9: {  	s8 =	simm.s32 $0x2000;
	s3 =	sadd.s32 s7, s3;
	s7 =	sshrl.u32 s7, $0x2  }
0xa: {  	s6 =	ssub.s32 s6, s31;
	s3 =	sadd.s32 $0xC00, s3;
	s4 =	sadd.s32 s4, s7  }
0xb: {  	v0 =	vimm.s32 $0x0;
	s5 =	sadd.s32 s5, s7;
	s6 =	smax.u32 s6, $0x1;
	s7 =	simm.s32 $0x1  }
.LBB2_1:
0xc: {  	[tilespmem:s2], [sflag:$0x1] =	stream.linear.gather [hbm4b:s3+s2], $0x2000, $0x38;
	[tilespmem:$0x3000] =	vst v63  }
0xd: {  	s12 =	simm.s32 $0x0;
	_ =	swait.ge [sflag:s7], $0x2000  }
0xe: {  	s11 =	sand.u32 $0x70, s2;
	s12 =	sand.u32 $0x3FFFFC00, s12;
	[sflag:s7] =	ssyncset.done $0x0  }
0xf: {  	s12 =	sor.u32 s11, s12;
	[sflag:s7] =	ssyncadd.s32 $0xFFFFE000  }
0x10: {  	v1 =	vld [tilespmem:s12+$0x80]  }
0x11: {  	v2 =	vld [tilespmem:s12+$0x0];
	_ =	sdelay $0x2  }
0x12: {  	v3 =	vld [tilespmem:s12+$0x100]  }
0x13: {  	vm1 =	vlt.f32 v1, $-Inf;
	vm2 =	vgt.f32 v1, $-Inf  }
0x14: {  	vm0 =	vgt.f32 v1, v2;
	vm2 =	vmor vm2, vm1  }
0x15: {  	v5 =	vld [tilespmem:s12+$0x180];
	vm3 =	vmneg vm0;
	v4 =	vnsel vm2, $0xFF800000, v1  }
0x16: {  	v4 =	vsel vm3, v4, v2  }
0x17: {  	v1 =	vsel vm3, v2, v1;
	vm5 =	vgt.f32 v3, v4  }
0x18: {  	v59 =	vld [tilespmem:s12+$0x200];
	vm1 =	vgt.f32 v3, v1;
	v2 =	vsel vm5, v3, v4  }
0x19: {  	v2 =	vsel vm1, v1, v2  }
0x1a: {  	v1 =	vsel vm1, v3, v1;
	vm6 =	vgt.f32 v5, v2  }
0x1b: {  	v3 =	vld [tilespmem:s12+$0x280];
	vm4 =	vgt.f32 v5, v1;
	v2 =	vsel vm6, v5, v2  }
0x1c: {  	v2 =	vsel vm4, v1, v2  }
0x1d: {  	v1 =	vsel vm4, v5, v1;
	vm8 =	vgt.f32 v59, v2  }
0x1e: {  	v60 =	vld [tilespmem:s12+$0x300];
	vm7 =	vgt.f32 v59, v1;
	v2 =	vsel vm8, v59, v2  }
0x1f: {  	v2 =	vsel vm7, v1, v2  }
0x20: {  	v1 =	vsel vm7, v59, v1;
	vm10 =	vgt.f32 v3, v2  }
0x21: {  	v61 =	vld [tilespmem:s12+$0x380];
	vm9 =	vgt.f32 v3, v1;
	v2 =	vsel vm10, v3, v2  }
0x22: {  	v2 =	vsel vm9, v1, v2  }
0x23: {  	v1 =	vsel vm9, v3, v1;
	vm14 =	vgt.f32 v60, v2  }
0x24: {  	vm11 =	vgt.f32 v60, v1;
	v2 =	vsel vm14, v60, v2  }
0x25: {  	v2 =	vsel vm11, v1, v2  }
0x26: {  	v1 =	vsel vm11, v60, v1;
	vm13 =	vgt.f32 v61, v2  }
0x27: {  	vm12 =	vgt.f32 v61, v1;
	v2 =	vsel vm13, v61, v2  }
0x28: {  	v2 =	vsel vm12, v1, v2;
	v1 =	vsel vm12, v61, v1  }
0x29: {  	v1 =	vsub.f32 v2, v1;
	_ =	sdelay $0x1  }
0x2a: {  	v1 =	vmul.f32 $1.442695020e+00, v1;
	_ =	sdelay $0x1  }
0x2b: {  	(erf) = vpow2.f32 v1;
	_ =	sdelay $0x4  }
0x2c: {  	vm2 =	vmand vm3, vm2  }
0x2d: {  	v1 =	vsel vm2, $0x1, v0  }
0x2e: {  	v2 =	vsel vm0, $0x1, v0;
	v1 =	vsel vm5, $0x2, v1  }
0x2f: {  	v1 =	vsel vm1, v2, v1  }
0x30: {  	v2 =	vsel vm1, $0x2, v2;
	v1 =	vsel vm6, $0x3, v1;
	v3 =	vpop (erf)  }
0x31: {  	v1 =	vsel vm4, v2, v1;
	v62 =	vadd.f32 $1.000000000e+00, v3  }
0x32: {  	v2 =	vsel vm4, $0x3, v2;
	v1 =	vsel vm8, $0x4, v1  }
0x33: {  	v1 =	vsel vm7, v2, v1;
	(erf) = vrcp.f32 v62  }
0x34: {  	v2 =	vsel vm7, $0x4, v2;
	v1 =	vsel vm10, $0x5, v1  }
0x35: {  	v1 =	vsel vm9, v2, v1  }
0x36: {  	v2 =	vsel vm9, $0x5, v2;
	v1 =	vsel vm14, $0x6, v1  }
0x37: {  	v1 =	vsel vm11, v2, v1  }
0x38: {  	s31 =	simm.s32 $0x0;
	v63 =	vsel vm11, $0x6, v2;
	v1 =	vsel vm13, $0x7, v1  }
0x39: {  	s12 =	sand.u32 $0xFFFFFF00, s31;
	v1 =	vsel vm12, v63, v1  }
0x3a: {  	s15 =	sor.u32 s11, s12;
	v2 =	vsel vm12, $0x7, v63  }
0x3b: {  	[tilespmem:s15+$0x2000] =	vst v2  }
0x3c: {  	s16 =	simm.s32 $0x80;
	s13 =	simm.s32 $0x10;
	s14 =	simm.s32 $0x2;
	[tilespmem:s15+$0x2080] =	vst v1;
	v1 =	vpop (erf)  }
0x3d: {  	s16 =	sand.u32 $0x3FFFFC00, s16;
	s11 =	simm.s32 $0x1;
	s12 =	sand.u32 $0x70, s13;
	[tilespmem:s15+$0x2800] =	vst v1;
	v1 =	vmul.f32 v1, v3  }
.LBB2_2:
0x3e: {  	p0 =	sne.s32 s14, $0x3F  }
0x3f: {  	s16 =	sor.u32 s12, s16;
	[tilespmem:s15+$0x2880] =	vst v1;
	s15 =	smov.u32 s14;
	s14 =	sadd.s32 $0x1, s14  }
0x40: {  	v1 =	vld [tilespmem:s16+$0x80]  }
0x41: {  	v2 =	vld [tilespmem:s16+$0x0];
	_ =	sdelay $0x2  }
0x42: {  	v3 =	vld [tilespmem:s16+$0x100]  }
0x43: {  	vm0 =	vlt.f32 v1, $-Inf;
	vm1 =	vgt.f32 v1, $-Inf  }
0x44: {  	vm2 =	vgt.f32 v1, v2;
	vm0 =	vmor vm1, vm0  }
0x45: {  	vm1 =	vmneg vm2;
	v4 =	vnsel vm0, $0xFF800000, v1;
	v5 =	vld [tilespmem:s16+$0x180]  }
0x46: {  	v4 =	vsel vm1, v4, v2;
	vm0 =	vmand vm1, vm0;
	v1 =	vsel vm1, v2, v1  }
0x47: {  	v2 =	vsel vm0, $0x1, v0;
	vm0 =	vgt.f32 v3, v4  }
0x48: {  	vm1 =	vgt.f32 v3, v1;
	v4 =	vsel vm0, v3, v4;
	v2 =	vsel vm0, $0x2, v2;
	v6 =	vld [tilespmem:s16+$0x200]  }
0x49: {  	v7 =	vsel vm2, $0x1, v0;
	v4 =	vsel vm1, v1, v4;
	v1 =	vsel vm1, v3, v1  }
0x4a: {  	v2 =	vsel vm1, v7, v2;
	vm0 =	vgt.f32 v5, v4  }
0x4b: {  	vm2 =	vgt.f32 v5, v1;
	v3 =	vsel vm0, v5, v4;
	v2 =	vsel vm0, $0x3, v2;
	v4 =	vld [tilespmem:s16+$0x280]  }
0x4c: {  	v7 =	vsel vm1, $0x2, v7;
	v3 =	vsel vm2, v1, v3  }
0x4d: {  	v2 =	vsel vm2, v7, v2;
	v1 =	vsel vm2, v5, v1;
	vm0 =	vgt.f32 v6, v3  }
0x4e: {  	v5 =	vsel vm2, $0x3, v7;
	vm1 =	vgt.f32 v6, v1;
	v3 =	vsel vm0, v6, v3;
	v7 =	vld [tilespmem:s16+$0x300]  }
0x4f: {  	v2 =	vsel vm0, $0x4, v2;
	v8 =	vsel vm1, $0x4, v5;
	v3 =	vsel vm1, v1, v3  }
0x50: {  	v2 =	vsel vm1, v5, v2;
	v1 =	vsel vm1, v6, v1;
	vm0 =	vgt.f32 v4, v3  }
0x51: {  	vm1 =	vgt.f32 v4, v1;
	v3 =	vsel vm0, v4, v3;
	v2 =	vsel vm0, $0x5, v2;
	v5 =	vld [tilespmem:s16+$0x380]  }
0x52: {  	v3 =	vsel vm1, v1, v3;
	v2 =	vsel vm1, v8, v2  }
0x53: {  	v1 =	vsel vm1, v4, v1;
	vm0 =	vgt.f32 v7, v3  }
0x54: {  	vm2 =	vgt.f32 v7, v1;
	v3 =	vsel vm0, v7, v3  }
0x55: {  	v3 =	vsel vm2, v1, v3;
	v1 =	vsel vm2, v7, v1  }
0x56: {  	v2 =	vsel vm0, $0x6, v2;
	vm0 =	vgt.f32 v5, v3  }
0x57: {  	s16 =	sshll.u32 s11, $0x5;
	s11 =	smov.u32 s15;
	v4 =	vsel vm1, $0x5, v8;
	vm1 =	vgt.f32 v5, v1;
	v3 =	vsel vm0, v5, v3  }
0x58: {  	s15 =	sand.u32 $0xFFFFFF00, s16;
	v6 =	vsel vm2, $0x6, v4;
	v3 =	vsel vm1, v1, v3;
	v1 =	vsel vm1, v5, v1  }
0x59: {  	s15 =	sor.u32 s12, s15;
	v2 =	vsel vm2, v4, v2;
	v4 =	vsel vm1, $0x7, v6;
	v1 =	vsub.f32 v3, v1  }
0x5a: {  	v2 =	vsel vm0, $0x7, v2;
	[tilespmem:s15+$0x2000] =	vst v4  }
0x5b: {  	v2 =	vsel vm1, v6, v2;
	v1 =	vmul.f32 $1.442695020e+00, v1  }
0x5c: {  	[tilespmem:s15+$0x2080] =	vst v2  }
0x5d: {  	(erf) = vpow2.f32 v1;
	_ =	sdelay $0x8  }
0x5e: {  	v1 =	vpop (erf)  }
0x5f: {  	v2 =	vadd.f32 $1.000000000e+00, v1;
	_ =	sdelay $0x1  }
0x60: {  	(erf) = vrcp.f32 v2;
	_ =	sdelay $0x6  }
.Ltmp0:
0x61: {  	(pc) =	sbr.rel @p0 .LBB2_2-.Ltmp0, $4  }
0x62: {  	_ = 	snop  }
0x63: {  	v2 =	vpop (erf)  }
0x64: {  	s13 =	sadd.s32 $0x10, s13;
	s16 =	sshll.u32 s11, $0x7;
	[tilespmem:s15+$0x2800] =	vst v2;
	v1 =	vmul.f32 v2, v1  }
0x65: {  	s12 =	sand.u32 $0x70, s13;
	s16 =	sand.u32 $0x3FFFFC00, s16  }
0x66: {  	s13 =	sor.u32 s12, s16;
	[tilespmem:s15+$0x2880] =	vst v1  }
0x67: {  	v1 =	vld [tilespmem:s13+$0x80]  }
0x68: {  	v2 =	vld [tilespmem:s13+$0x0];
	_ =	sdelay $0x2  }
0x69: {  	v3 =	vld [tilespmem:s13+$0x100]  }
0x6a: {  	vm1 =	vlt.f32 v1, $-Inf;
	vm2 =	vgt.f32 v1, $-Inf  }
0x6b: {  	vm0 =	vgt.f32 v1, v2;
	vm2 =	vmor vm2, vm1  }
0x6c: {  	v5 =	vld [tilespmem:s13+$0x180];
	vm3 =	vmneg vm0;
	v4 =	vnsel vm2, $0xFF800000, v1  }
0x6d: {  	v4 =	vsel vm3, v4, v2  }
0x6e: {  	v1 =	vsel vm3, v2, v1;
	vm5 =	vgt.f32 v3, v4  }
0x6f: {  	v59 =	vld [tilespmem:s13+$0x200];
	vm1 =	vgt.f32 v3, v1;
	v2 =	vsel vm5, v3, v4  }
0x70: {  	v2 =	vsel vm1, v1, v2  }
0x71: {  	v1 =	vsel vm1, v3, v1;
	vm6 =	vgt.f32 v5, v2  }
0x72: {  	v3 =	vld [tilespmem:s13+$0x280];
	vm4 =	vgt.f32 v5, v1;
	v2 =	vsel vm6, v5, v2  }
0x73: {  	v2 =	vsel vm4, v1, v2  }
0x74: {  	v1 =	vsel vm4, v5, v1;
	vm8 =	vgt.f32 v59, v2  }
0x75: {  	v60 =	vld [tilespmem:s13+$0x300];
	vm7 =	vgt.f32 v59, v1;
	v2 =	vsel vm8, v59, v2  }
0x76: {  	v2 =	vsel vm7, v1, v2  }
0x77: {  	v1 =	vsel vm7, v59, v1;
	vm10 =	vgt.f32 v3, v2  }
0x78: {  	v61 =	vld [tilespmem:s13+$0x380];
	vm9 =	vgt.f32 v3, v1;
	v2 =	vsel vm10, v3, v2  }
0x79: {  	v2 =	vsel vm9, v1, v2  }
0x7a: {  	v1 =	vsel vm9, v3, v1;
	vm14 =	vgt.f32 v60, v2  }
0x7b: {  	vm11 =	vgt.f32 v60, v1;
	v2 =	vsel vm14, v60, v2  }
0x7c: {  	v2 =	vsel vm11, v1, v2  }
0x7d: {  	v1 =	vsel vm11, v60, v1;
	vm13 =	vgt.f32 v61, v2  }
0x7e: {  	vm12 =	vgt.f32 v61, v1;
	v2 =	vsel vm13, v61, v2  }
0x7f: {  	v2 =	vsel vm12, v1, v2;
	v1 =	vsel vm12, v61, v1  }
0x80: {  	v1 =	vsub.f32 v2, v1;
	_ =	sdelay $0x1  }
0x81: {  	v1 =	vmul.f32 $1.442695020e+00, v1;
	_ =	sdelay $0x1  }
0x82: {  	(erf) = vpow2.f32 v1;
	_ =	sdelay $0x6  }
0x83: {  	vm2 =	vmand vm3, vm2  }
0x84: {  	v1 =	vsel vm2, $0x1, v0  }
0x85: {  	v3 =	vsel vm0, $0x1, v0;
	v1 =	vsel vm5, $0x2, v1;
	v2 =	vpop (erf)  }
0x86: {  	v1 =	vsel vm1, v3, v1;
	v62 =	vadd.f32 $1.000000000e+00, v2  }
0x87: {  	v3 =	vsel vm1, $0x2, v3;
	v1 =	vsel vm6, $0x3, v1  }
0x88: {  	v1 =	vsel vm4, v3, v1;
	(erf) = vrcp.f32 v62  }
0x89: {  	v3 =	vsel vm4, $0x3, v3;
	v1 =	vsel vm8, $0x4, v1  }
0x8a: {  	v1 =	vsel vm7, v3, v1  }
0x8b: {  	v3 =	vsel vm7, $0x4, v3;
	v1 =	vsel vm10, $0x5, v1  }
0x8c: {  	v1 =	vsel vm9, v3, v1;
	v3 =	vsel vm9, $0x5, v3  }
0x8d: {  	v1 =	vsel vm14, $0x6, v1;
	v63 =	vsel vm11, $0x6, v3  }
0x8e: {  	s11 =	sshll.u32 s11, $0x5;
	v1 =	vsel vm11, v3, v1;
	v3 =	vsel vm12, $0x7, v63  }
0x8f: {  	s11 =	sand.u32 $0xFFFFFF00, s11  }
0x90: {  	s11 =	sor.u32 s12, s11;
	v1 =	vsel vm13, $0x7, v1  }
0x91: {  	[tilespmem:s11+$0x2000] =	vst v3;
	v1 =	vsel vm12, v63, v1;
	v3 =	vpop (erf)  }
0x92: {  	[tilespmem:s11+$0x2080] =	vst v1;
	v1 =	vmul.f32 v3, v2  }
0x93: {  	[tilespmem:s11+$0x2800] =	vst v3  }
0x94: {  	[tilespmem:s11+$0x2880] =	vst v1  }
0x95: {  	[hbm4b:s4+s2] =	stream.linear.scatter [tilespmem:s8], [sflag:$0x1], $0x800, $0x38;
	[tilespmem:$0x3000] =	vst v63  }
0x96: {  	s10 =	sadd.s32 $0x1, s10;
	_ =	swait.ge [sflag:s7], $0x800  }
0x97: {  	p0 =	sne.s32 s10, s6;
	[sflag:s7] =	ssyncset.done $0x0  }
.Ltmp1:
0x98: {  	[sflag:s7] =	ssyncadd.s32 $0xFFFFF800;
	(pc) =	sbr.rel @p0 .LBB2_1-.Ltmp1, $4  }
0x99: {  	[hbm4b:s5+s2] =	stream.linear.scatter [tilespmem:s9], [sflag:$0x1], $0x800, $0x38;
	[tilespmem:$0x3000] =	vst v63  }
0x9a: {  	_ =	swait.ge [sflag:s7], $0x800  }
0x9b: {  	[sflag:s7] =	ssyncset.done $0x0  }
0x9c: {  	[sflag:s7] =	ssyncadd.s32 $0xFFFFF800  }
0x9d: {  	_ =	sfence.sel $0x180000  }
0x9e: {  	[bflag:$0x0] =	sbarrier.arrive $0xFFFF  }
0x9f: {  	p0 =	sne.s32 s1, $0x0;
	_ =	strace $0x90000047  }
0xa0: {  	s0 =	sadd.s32 @!p0 $0x100000, s0;
	[bflag:$0x2] =	sbarrier.arrive $0xFFFF  }
0xa1: {  	[sflag:s0] =	ssyncadd.tile.s32 @!p0 $0x1;
	_ =	shalt  }
.Lfunc_end2:
_tile_overlayer_lowered:
.L_overlay_start_2:
0xa2: {  	(tag) =	ssettag $0x2  }
0xa3: {  	s0 =	rddreg [dreg:$0x0];
	s2 =	stileid.u32  }
0xa4: {  	s1 =	rddreg [dreg:$0x1];
	p0 =	sne.s32 s2, $0x0  }
0xa5: {  	s3 =	rddreg [dreg:$0x2];
	[bflag:$0x3] =	sbarrier.arrive $0xFFFF;
	s2 =	simm.s32 @!p0 $0x1C01  }
0xa6: {  	[timem:s3], [sflag:s2] =	dma.local @!p0 [hbm:s0], s1  }
0xa7: {  	s0 =	simm.s32 @!p0 $0x1  }
0xa8: {  	_ =	swait.ge @!p0 [sflag:s0], s1  }
0xa9: {  	s1 =	ssub.s32 @!p0 $0x0, s1;
	[sflag:s0] =	ssyncset.done @!p0 $0x0  }
0xaa: {  	[sflag:s0] =	ssyncadd.s32 @!p0 s1  }
0xab: {  	[bflag:$0x3] =	sbarrier.arrive $0xFFFF  }
0xac: {  	_ =	shalt  }

</sc_bundles>
